<compile_context>
chip_gen: v7x
topology: tpu7x:2x2x1
jax: 0.10.2.dev20260603
libtpu: 0.0.44.dev20260713+nightly
codegen_flags: <defaults>
</compile_context>

<pallas_src>
import functools

import jax
import jax.numpy as jnp
from jax import lax
from jax.experimental import pallas as pl
from jax.experimental.pallas import tpu as pltpu
from jax.experimental.pallas import tpu_sc as plsc

_DIM = 128
_ROWS = 1000
_BATCH = 16384
_CHUNK = 128


@functools.lru_cache(maxsize=None)
def _build_gather():
    info = plsc.get_sparse_core_info()
    nw = info.num_cores * info.num_subcores
    bpw = _BATCH // nw
    nchunks = bpw // _CHUNK
    mesh = plsc.VectorSubcoreMesh(core_axis_name="c", subcore_axis_name="s")

    @functools.partial(
        pl.kernel,
        mesh=mesh,
        out_type=jax.ShapeDtypeStruct((_BATCH, _DIM), jnp.float32),
        scratch_types=[
            pltpu.VMEM((bpw,), jnp.int32),
            pltpu.VMEM((_CHUNK, _DIM), jnp.float32),
            pltpu.VMEM((_CHUNK, _DIM), jnp.float32),
            pltpu.VMEM((_CHUNK, _DIM), jnp.float32),
            pltpu.VMEM((_CHUNK, _DIM), jnp.float32),
            pltpu.VMEM_SHARED((_ROWS, _DIM), jnp.float32),
            pltpu.SemaphoreType.DMA,
            pltpu.SemaphoreType.DMA,
        ],
    )
    def gather(idx_hbm, table_hbm, out_hbm, idx_v, r0, r1, r2, r3, table_sp,
               gsem, ssem):
        sid = lax.axis_index("s")
        wid = sid * info.num_cores + lax.axis_index("c")
        base = wid * bpw
        ih = pltpu.async_copy(idx_hbm.at[pl.ds(base, bpw)], idx_v, ssem)

        @pl.when(sid < 15)
        def _():
            pltpu.sync_copy(table_hbm.at[pl.ds(sid * 64, 64)],
                            table_sp.at[pl.ds(sid * 64, 64)])

        @pl.when(sid == 15)
        def _():
            pltpu.sync_copy(table_hbm.at[pl.ds(960, 40)],
                            table_sp.at[pl.ds(960, 40)])

        ih.wait()
        plsc.subcore_barrier()
        bufs = (r0, r1, r2, r3)

        def g(j):
            return pltpu.async_copy(
                table_sp.at[idx_v.at[pl.ds(j * _CHUNK, _CHUNK)]],
                bufs[j], gsem)

        def s(j):
            return pltpu.async_copy(
                bufs[j],
                out_hbm.at[pl.ds(base + j * _CHUNK, _CHUNK)], ssem)

        gh = [g(j) for j in range(nchunks)]
        sh = []
        for j in range(nchunks):
            gh[j].wait()
            sh.append(s(j))
        for h in sh:
            h.wait()

    return gather


@jax.jit
def kernel(timesteps, pe):
    return _build_gather()(timesteps.astype(jnp.int32), pe)

# --- scband reference (transcript-rebuilt; emitter-appended) ---
"""Pipeline reference for scband-sinusoidal-pos-emb-30477087932826 (READ-ONLY COPY).

The authoritative reference and input builder live on the scoring server;
editing this copy changes nothing except your own understanding.
"""

import jax, jax.numpy as jnp
import numpy as np

DIM = 128
MAX_T = 1000
BATCH = 16384

def _make_pe():
    position = np.arange(0, MAX_T, dtype=np.float32)[:, None]
    div_term = np.exp(np.arange(0, DIM, 2, dtype=np.float32) * (-np.log(10000.0) / DIM))
    pe = np.zeros((MAX_T, DIM), dtype=np.float32)
    pe[:, 0::2] = np.sin(position * div_term)
    pe[:, 1::2] = np.cos(position * div_term)
    return jnp.asarray(pe)

def setup_inputs(seed: int = 0):
    key = jax.random.key(seed)
    timesteps = jax.random.randint(key, (BATCH,), 0, MAX_T)
    return {"timesteps": timesteps, "pe": _make_pe()}

def reference(timesteps, pe):
    # timesteps = timesteps.long(); pe = self.pe[timesteps]
    idx = timesteps.astype(jnp.int32)
    return jnp.take(pe, idx, axis=0)

if __name__ == "__main__":
    import jax
    _d = setup_inputs()
    print(jax.jit(kernel)(*tuple(_d.values())))

</pallas_src>

<mosaic_0001>
#map = affine_map<(d0, d1) -> (0)>
#map1 = affine_map<(d0, d1) -> (0, 0)>
module attributes {stable_mosaic.version = 14 : i64} {
  func.func @gather(%arg0: i32, %arg1: i32, %arg2: memref<16384xi32, #tpu.memory_space<hbm>>, %arg3: memref<1000x128xf32, #tpu.memory_space<hbm>>, %arg4: memref<16384x128xf32, #tpu.memory_space<hbm>>, %arg5: memref<512xi32, #tpu.memory_space<vmem>>, %arg6: memref<128x128xf32, #tpu.memory_space<vmem>>, %arg7: memref<128x128xf32, #tpu.memory_space<vmem>>, %arg8: memref<128x128xf32, #tpu.memory_space<vmem>>, %arg9: memref<128x128xf32, #tpu.memory_space<vmem>>, %arg10: memref<1000x128xf32, #tpu.memory_space<vmem_shared>>, %arg11: memref<!tpu.dma_semaphore, #tpu.memory_space<semaphore_mem>>, %arg12: memref<!tpu.dma_semaphore, #tpu.memory_space<semaphore_mem>>) attributes {dimension_semantics = [#tpu.dimension_semantics<core_parallel>, #tpu.dimension_semantics<subcore_parallel>], iteration_bounds = array<i64: 2, 16>, scalar_prefetch = 0 : i64, scratch_operands = 8 : i64, tpu.core_type = #tpu.core_type<sc_vector_subcore>, window_params = [{transform_indices = #map}, {transform_indices = #map1}, {transform_indices = #map1}]} {
    %mul3A = arith.constant 2 : i32
    %mul3A_0 = arith.muli %arg1, %mul3A : i32
    %add3A = arith.addi %mul3A_0, %arg0 : i32
    %mul3A_1 = arith.constant 512 : i32
    %mul3A_2 = arith.muli %add3A, %mul3A_1 : i32
    %dma_start3A = tpu.memref_slice %arg2[%mul3A_2] : memref<16384xi32, #tpu.memory_space<hbm>> -> memref<512xi32, #tpu.memory_space<hbm>>
    %dma_start3A_3 = tpu.memref_slice %arg2[%mul3A_2] : memref<16384xi32, #tpu.memory_space<hbm>> -> memref<512xi32, #tpu.memory_space<hbm>>
    tpu.enqueue_dma source(%dma_start3A_3 : memref<512xi32, #tpu.memory_space<hbm>>) target(%arg5 : memref<512xi32, #tpu.memory_space<vmem>>) target_semaphore(%arg12 : memref<!tpu.dma_semaphore, #tpu.memory_space<semaphore_mem>>)
    %lt3A = arith.constant 15 : i32
    %lt3A_4 = arith.cmpi slt, %arg1, %lt3A : i32
    %convert_element_type3A = arith.extui %lt3A_4 : i1 to i32
    %cond3A = arith.constant 0 : i32
    %cond3A_5 = arith.cmpi ne, %convert_element_type3A, %cond3A : i32
    scf.if %cond3A_5 {
      %mul3A_91 = arith.constant 64 : i32
      %mul3A_92 = arith.muli %arg1, %mul3A_91 : i32
      %mul3A_93 = arith.constant 64 : i32
      %mul3A_94 = arith.muli %arg1, %mul3A_93 : i32
      "tpu.region"() ({
        %run_scoped3A = tpu.sem_alloc : memref<!tpu.dma_semaphore, #tpu.memory_space<semaphore_mem>>
        %dma_start3A_95 = arith.constant 0 : i32
        %dma_start3A_96 = tpu.memref_slice %arg10[%mul3A_94, %dma_start3A_95] : memref<1000x128xf32, #tpu.memory_space<vmem_shared>> -> memref<64x128xf32, #tpu.memory_space<vmem_shared>>
        %dma_start3A_97 = arith.constant 0 : i32
        %dma_start3A_98 = tpu.memref_slice %arg3[%mul3A_92, %dma_start3A_97] : memref<1000x128xf32, #tpu.memory_space<hbm>> -> memref<64x128xf32, #tpu.memory_space<hbm>>
        tpu.enqueue_dma source(%dma_start3A_98 : memref<64x128xf32, #tpu.memory_space<hbm>>) target(%dma_start3A_96 : memref<64x128xf32, #tpu.memory_space<vmem_shared>>) target_semaphore(%run_scoped3A : memref<!tpu.dma_semaphore, #tpu.memory_space<semaphore_mem>>)
        %dma_wait3A_99 = arith.constant 0 : i32
        %dma_wait3A_100 = tpu.memref_slice %arg10[%mul3A_94, %dma_wait3A_99] : memref<1000x128xf32, #tpu.memory_space<vmem_shared>> -> memref<64x128xf32, #tpu.memory_space<vmem_shared>>
        %dma_wait3A_101 = arith.constant 0 : i32
        %dma_wait3A_102 = tpu.memref_slice %arg3[%mul3A_92, %dma_wait3A_101] : memref<1000x128xf32, #tpu.memory_space<hbm>> -> memref<64x128xf32, #tpu.memory_space<hbm>>
        tpu.wait_dma2 semaphore(%run_scoped3A : memref<!tpu.dma_semaphore, #tpu.memory_space<semaphore_mem>>) src(%dma_wait3A_102 : memref<64x128xf32, #tpu.memory_space<hbm>>) dst(%dma_wait3A_100 : memref<64x128xf32, #tpu.memory_space<vmem_shared>>)
        tpu.yield
      }) : () -> ()
    } else {
    }
    %eq3A = arith.constant 15 : i32
    %eq3A_6 = arith.cmpi eq, %arg1, %eq3A : i32
    %convert_element_type3A_7 = arith.extui %eq3A_6 : i1 to i32
    %cond3A_8 = arith.constant 0 : i32
    %cond3A_9 = arith.cmpi ne, %convert_element_type3A_7, %cond3A_8 : i32
    scf.if %cond3A_9 {
      "tpu.region"() ({
        %run_scoped3A = tpu.sem_alloc : memref<!tpu.dma_semaphore, #tpu.memory_space<semaphore_mem>>
        %dma_start3A_91 = arith.constant 960 : i32
        %dma_start3A_92 = arith.constant 0 : i32
        %dma_start3A_93 = tpu.memref_slice %arg10[%dma_start3A_91, %dma_start3A_92] : memref<1000x128xf32, #tpu.memory_space<vmem_shared>> -> memref<40x128xf32, #tpu.memory_space<vmem_shared>>
        %dma_start3A_94 = arith.constant 960 : i32
        %dma_start3A_95 = arith.constant 0 : i32
        %dma_start3A_96 = tpu.memref_slice %arg3[%dma_start3A_94, %dma_start3A_95] : memref<1000x128xf32, #tpu.memory_space<hbm>> -> memref<40x128xf32, #tpu.memory_space<hbm>>
        tpu.enqueue_dma source(%dma_start3A_96 : memref<40x128xf32, #tpu.memory_space<hbm>>) target(%dma_start3A_93 : memref<40x128xf32, #tpu.memory_space<vmem_shared>>) target_semaphore(%run_scoped3A : memref<!tpu.dma_semaphore, #tpu.memory_space<semaphore_mem>>)
        %dma_wait3A_97 = arith.constant 960 : i32
        %dma_wait3A_98 = arith.constant 0 : i32
        %dma_wait3A_99 = tpu.memref_slice %arg10[%dma_wait3A_97, %dma_wait3A_98] : memref<1000x128xf32, #tpu.memory_space<vmem_shared>> -> memref<40x128xf32, #tpu.memory_space<vmem_shared>>
        %dma_wait3A_100 = arith.constant 960 : i32
        %dma_wait3A_101 = arith.constant 0 : i32
        %dma_wait3A_102 = tpu.memref_slice %arg3[%dma_wait3A_100, %dma_wait3A_101] : memref<1000x128xf32, #tpu.memory_space<hbm>> -> memref<40x128xf32, #tpu.memory_space<hbm>>
        tpu.wait_dma2 semaphore(%run_scoped3A : memref<!tpu.dma_semaphore, #tpu.memory_space<semaphore_mem>>) src(%dma_wait3A_102 : memref<40x128xf32, #tpu.memory_space<hbm>>) dst(%dma_wait3A_99 : memref<40x128xf32, #tpu.memory_space<vmem_shared>>)
        tpu.yield
      }) : () -> ()
    } else {
    }
    %dma_wait3A = tpu.memref_slice %arg2[%mul3A_2] : memref<16384xi32, #tpu.memory_space<hbm>> -> memref<512xi32, #tpu.memory_space<hbm>>
    %dma_wait3A_10 = tpu.memref_slice %arg2[%mul3A_2] : memref<16384xi32, #tpu.memory_space<hbm>> -> memref<512xi32, #tpu.memory_space<hbm>>
    tpu.wait_dma2 semaphore(%arg12 : memref<!tpu.dma_semaphore, #tpu.memory_space<semaphore_mem>>) src(%dma_wait3A_10 : memref<512xi32, #tpu.memory_space<hbm>>) dst(%arg5 : memref<512xi32, #tpu.memory_space<vmem>>)
    %barrier3A = arith.constant 0 : index
    tpu.barrier barrier_id(%barrier3A)
    %dma_start3A_11 = arith.constant 0 : i32
    %dma_start3A_12 = tpu.memref_slice %arg5[%dma_start3A_11] : memref<512xi32, #tpu.memory_space<vmem>> -> memref<128xi32, #tpu.memory_space<vmem>>
    %dma_start3A_13 = arith.constant 0 : i32
    %dma_start3A_14 = arith.constant 0 : i32
    %dma_start3A_15 = tpu.memref_slice %arg10[%dma_start3A_13, %dma_start3A_14] : memref<1000x128xf32, #tpu.memory_space<vmem_shared>> -> memref<1000x128xf32, #tpu.memory_space<vmem_shared>>
    tpu.enqueue_indirect_dma source(%dma_start3A_15 : memref<1000x128xf32, #tpu.memory_space<vmem_shared>>) target(%arg6 : memref<128x128xf32, #tpu.memory_space<vmem>>) offsets(%dma_start3A_12 : memref<128xi32, #tpu.memory_space<vmem>>) semaphore(%arg11 : memref<!tpu.dma_semaphore, #tpu.memory_space<semaphore_mem>>)
    %dma_start3A_16 = arith.constant 128 : i32
    %dma_start3A_17 = tpu.memref_slice %arg5[%dma_start3A_16] : memref<512xi32, #tpu.memory_space<vmem>> -> memref<128xi32, #tpu.memory_space<vmem>>
    %dma_start3A_18 = arith.constant 0 : i32
    %dma_start3A_19 = arith.constant 0 : i32
    %dma_start3A_20 = tpu.memref_slice %arg10[%dma_start3A_18, %dma_start3A_19] : memref<1000x128xf32, #tpu.memory_space<vmem_shared>> -> memref<1000x128xf32, #tpu.memory_space<vmem_shared>>
    tpu.enqueue_indirect_dma source(%dma_start3A_20 : memref<1000x128xf32, #tpu.memory_space<vmem_shared>>) target(%arg7 : memref<128x128xf32, #tpu.memory_space<vmem>>) offsets(%dma_start3A_17 : memref<128xi32, #tpu.memory_space<vmem>>) semaphore(%arg11 : memref<!tpu.dma_semaphore, #tpu.memory_space<semaphore_mem>>)
    %dma_start3A_21 = arith.constant 256 : i32
    %dma_start3A_22 = tpu.memref_slice %arg5[%dma_start3A_21] : memref<512xi32, #tpu.memory_space<vmem>> -> memref<128xi32, #tpu.memory_space<vmem>>
    %dma_start3A_23 = arith.constant 0 : i32
    %dma_start3A_24 = arith.constant 0 : i32
    %dma_start3A_25 = tpu.memref_slice %arg10[%dma_start3A_23, %dma_start3A_24] : memref<1000x128xf32, #tpu.memory_space<vmem_shared>> -> memref<1000x128xf32, #tpu.memory_space<vmem_shared>>
    tpu.enqueue_indirect_dma source(%dma_start3A_25 : memref<1000x128xf32, #tpu.memory_space<vmem_shared>>) target(%arg8 : memref<128x128xf32, #tpu.memory_space<vmem>>) offsets(%dma_start3A_22 : memref<128xi32, #tpu.memory_space<vmem>>) semaphore(%arg11 : memref<!tpu.dma_semaphore, #tpu.memory_space<semaphore_mem>>)
    %dma_start3A_26 = arith.constant 384 : i32
    %dma_start3A_27 = tpu.memref_slice %arg5[%dma_start3A_26] : memref<512xi32, #tpu.memory_space<vmem>> -> memref<128xi32, #tpu.memory_space<vmem>>
    %dma_start3A_28 = arith.constant 0 : i32
    %dma_start3A_29 = arith.constant 0 : i32
    %dma_start3A_30 = tpu.memref_slice %arg10[%dma_start3A_28, %dma_start3A_29] : memref<1000x128xf32, #tpu.memory_space<vmem_shared>> -> memref<1000x128xf32, #tpu.memory_space<vmem_shared>>
    tpu.enqueue_indirect_dma source(%dma_start3A_30 : memref<1000x128xf32, #tpu.memory_space<vmem_shared>>) target(%arg9 : memref<128x128xf32, #tpu.memory_space<vmem>>) offsets(%dma_start3A_27 : memref<128xi32, #tpu.memory_space<vmem>>) semaphore(%arg11 : memref<!tpu.dma_semaphore, #tpu.memory_space<semaphore_mem>>)
    %dma_wait3A_31 = arith.constant 0 : i32
    %dma_wait3A_32 = tpu.memref_slice %arg5[%dma_wait3A_31] : memref<512xi32, #tpu.memory_space<vmem>> -> memref<128xi32, #tpu.memory_space<vmem>>
    %dma_wait3A_33 = arith.constant 0 : i32
    %dma_wait3A_34 = arith.constant 0 : i32
    %dma_wait3A_35 = tpu.memref_slice %arg10[%dma_wait3A_33, %dma_wait3A_34] : memref<1000x128xf32, #tpu.memory_space<vmem_shared>> -> memref<1000x128xf32, #tpu.memory_space<vmem_shared>>
    tpu.wait_indirect_dma semaphore(%arg11 : memref<!tpu.dma_semaphore, #tpu.memory_space<semaphore_mem>>) src(%dma_wait3A_35 : memref<1000x128xf32, #tpu.memory_space<vmem_shared>>) dst(%arg6 : memref<128x128xf32, #tpu.memory_space<vmem>>)
    %add3A_36 = arith.constant 0 : i32
    %add3A_37 = arith.addi %mul3A_2, %add3A_36 : i32
    %dma_start3A_38 = arith.constant 0 : i32
    %dma_start3A_39 = tpu.memref_slice %arg4[%add3A_37, %dma_start3A_38] : memref<16384x128xf32, #tpu.memory_space<hbm>> -> memref<128x128xf32, #tpu.memory_space<hbm>>
    %dma_start3A_40 = arith.constant 0 : i32
    %dma_start3A_41 = tpu.memref_slice %arg4[%add3A_37, %dma_start3A_40] : memref<16384x128xf32, #tpu.memory_space<hbm>> -> memref<128x128xf32, #tpu.memory_space<hbm>>
    tpu.enqueue_dma source(%arg6 : memref<128x128xf32, #tpu.memory_space<vmem>>) target(%dma_start3A_41 : memref<128x128xf32, #tpu.memory_space<hbm>>) target_semaphore(%arg12 : memref<!tpu.dma_semaphore, #tpu.memory_space<semaphore_mem>>)
    %dma_wait3A_42 = arith.constant 128 : i32
    %dma_wait3A_43 = tpu.memref_slice %arg5[%dma_wait3A_42] : memref<512xi32, #tpu.memory_space<vmem>> -> memref<128xi32, #tpu.memory_space<vmem>>
    %dma_wait3A_44 = arith.constant 0 : i32
    %dma_wait3A_45 = arith.constant 0 : i32
    %dma_wait3A_46 = tpu.memref_slice %arg10[%dma_wait3A_44, %dma_wait3A_45] : memref<1000x128xf32, #tpu.memory_space<vmem_shared>> -> memref<1000x128xf32, #tpu.memory_space<vmem_shared>>
    tpu.wait_indirect_dma semaphore(%arg11 : memref<!tpu.dma_semaphore, #tpu.memory_space<semaphore_mem>>) src(%dma_wait3A_46 : memref<1000x128xf32, #tpu.memory_space<vmem_shared>>) dst(%arg7 : memref<128x128xf32, #tpu.memory_space<vmem>>)
    %add3A_47 = arith.constant 128 : i32
    %add3A_48 = arith.addi %mul3A_2, %add3A_47 : i32
    %dma_start3A_49 = arith.constant 0 : i32
    %dma_start3A_50 = tpu.memref_slice %arg4[%add3A_48, %dma_start3A_49] : memref<16384x128xf32, #tpu.memory_space<hbm>> -> memref<128x128xf32, #tpu.memory_space<hbm>>
    %dma_start3A_51 = arith.constant 0 : i32
    %dma_start3A_52 = tpu.memref_slice %arg4[%add3A_48, %dma_start3A_51] : memref<16384x128xf32, #tpu.memory_space<hbm>> -> memref<128x128xf32, #tpu.memory_space<hbm>>
    tpu.enqueue_dma source(%arg7 : memref<128x128xf32, #tpu.memory_space<vmem>>) target(%dma_start3A_52 : memref<128x128xf32, #tpu.memory_space<hbm>>) target_semaphore(%arg12 : memref<!tpu.dma_semaphore, #tpu.memory_space<semaphore_mem>>)
    %dma_wait3A_53 = arith.constant 256 : i32
    %dma_wait3A_54 = tpu.memref_slice %arg5[%dma_wait3A_53] : memref<512xi32, #tpu.memory_space<vmem>> -> memref<128xi32, #tpu.memory_space<vmem>>
    %dma_wait3A_55 = arith.constant 0 : i32
    %dma_wait3A_56 = arith.constant 0 : i32
    %dma_wait3A_57 = tpu.memref_slice %arg10[%dma_wait3A_55, %dma_wait3A_56] : memref<1000x128xf32, #tpu.memory_space<vmem_shared>> -> memref<1000x128xf32, #tpu.memory_space<vmem_shared>>
    tpu.wait_indirect_dma semaphore(%arg11 : memref<!tpu.dma_semaphore, #tpu.memory_space<semaphore_mem>>) src(%dma_wait3A_57 : memref<1000x128xf32, #tpu.memory_space<vmem_shared>>) dst(%arg8 : memref<128x128xf32, #tpu.memory_space<vmem>>)
    %add3A_58 = arith.constant 256 : i32
    %add3A_59 = arith.addi %mul3A_2, %add3A_58 : i32
    %dma_start3A_60 = arith.constant 0 : i32
    %dma_start3A_61 = tpu.memref_slice %arg4[%add3A_59, %dma_start3A_60] : memref<16384x128xf32, #tpu.memory_space<hbm>> -> memref<128x128xf32, #tpu.memory_space<hbm>>
    %dma_start3A_62 = arith.constant 0 : i32
    %dma_start3A_63 = tpu.memref_slice %arg4[%add3A_59, %dma_start3A_62] : memref<16384x128xf32, #tpu.memory_space<hbm>> -> memref<128x128xf32, #tpu.memory_space<hbm>>
    tpu.enqueue_dma source(%arg8 : memref<128x128xf32, #tpu.memory_space<vmem>>) target(%dma_start3A_63 : memref<128x128xf32, #tpu.memory_space<hbm>>) target_semaphore(%arg12 : memref<!tpu.dma_semaphore, #tpu.memory_space<semaphore_mem>>)
    %dma_wait3A_64 = arith.constant 384 : i32
    %dma_wait3A_65 = tpu.memref_slice %arg5[%dma_wait3A_64] : memref<512xi32, #tpu.memory_space<vmem>> -> memref<128xi32, #tpu.memory_space<vmem>>
    %dma_wait3A_66 = arith.constant 0 : i32
    %dma_wait3A_67 = arith.constant 0 : i32
    %dma_wait3A_68 = tpu.memref_slice %arg10[%dma_wait3A_66, %dma_wait3A_67] : memref<1000x128xf32, #tpu.memory_space<vmem_shared>> -> memref<1000x128xf32, #tpu.memory_space<vmem_shared>>
    tpu.wait_indirect_dma semaphore(%arg11 : memref<!tpu.dma_semaphore, #tpu.memory_space<semaphore_mem>>) src(%dma_wait3A_68 : memref<1000x128xf32, #tpu.memory_space<vmem_shared>>) dst(%arg9 : memref<128x128xf32, #tpu.memory_space<vmem>>)
    %add3A_69 = arith.constant 384 : i32
    %add3A_70 = arith.addi %mul3A_2, %add3A_69 : i32
    %dma_start3A_71 = arith.constant 0 : i32
    %dma_start3A_72 = tpu.memref_slice %arg4[%add3A_70, %dma_start3A_71] : memref<16384x128xf32, #tpu.memory_space<hbm>> -> memref<128x128xf32, #tpu.memory_space<hbm>>
    %dma_start3A_73 = arith.constant 0 : i32
    %dma_start3A_74 = tpu.memref_slice %arg4[%add3A_70, %dma_start3A_73] : memref<16384x128xf32, #tpu.memory_space<hbm>> -> memref<128x128xf32, #tpu.memory_space<hbm>>
    tpu.enqueue_dma source(%arg9 : memref<128x128xf32, #tpu.memory_space<vmem>>) target(%dma_start3A_74 : memref<128x128xf32, #tpu.memory_space<hbm>>) target_semaphore(%arg12 : memref<!tpu.dma_semaphore, #tpu.memory_space<semaphore_mem>>)
    %dma_wait3A_75 = arith.constant 0 : i32
    %dma_wait3A_76 = tpu.memref_slice %arg4[%add3A_37, %dma_wait3A_75] : memref<16384x128xf32, #tpu.memory_space<hbm>> -> memref<128x128xf32, #tpu.memory_space<hbm>>
    %dma_wait3A_77 = arith.constant 0 : i32
    %dma_wait3A_78 = tpu.memref_slice %arg4[%add3A_37, %dma_wait3A_77] : memref<16384x128xf32, #tpu.memory_space<hbm>> -> memref<128x128xf32, #tpu.memory_space<hbm>>
    tpu.wait_dma2 semaphore(%arg12 : memref<!tpu.dma_semaphore, #tpu.memory_space<semaphore_mem>>) src(%arg6 : memref<128x128xf32, #tpu.memory_space<vmem>>) dst(%dma_wait3A_78 : memref<128x128xf32, #tpu.memory_space<hbm>>)
    %dma_wait3A_79 = arith.constant 0 : i32
    %dma_wait3A_80 = tpu.memref_slice %arg4[%add3A_48, %dma_wait3A_79] : memref<16384x128xf32, #tpu.memory_space<hbm>> -> memref<128x128xf32, #tpu.memory_space<hbm>>
    %dma_wait3A_81 = arith.constant 0 : i32
    %dma_wait3A_82 = tpu.memref_slice %arg4[%add3A_48, %dma_wait3A_81] : memref<16384x128xf32, #tpu.memory_space<hbm>> -> memref<128x128xf32, #tpu.memory_space<hbm>>
    tpu.wait_dma2 semaphore(%arg12 : memref<!tpu.dma_semaphore, #tpu.memory_space<semaphore_mem>>) src(%arg7 : memref<128x128xf32, #tpu.memory_space<vmem>>) dst(%dma_wait3A_82 : memref<128x128xf32, #tpu.memory_space<hbm>>)
    %dma_wait3A_83 = arith.constant 0 : i32
    %dma_wait3A_84 = tpu.memref_slice %arg4[%add3A_59, %dma_wait3A_83] : memref<16384x128xf32, #tpu.memory_space<hbm>> -> memref<128x128xf32, #tpu.memory_space<hbm>>
    %dma_wait3A_85 = arith.constant 0 : i32
    %dma_wait3A_86 = tpu.memref_slice %arg4[%add3A_59, %dma_wait3A_85] : memref<16384x128xf32, #tpu.memory_space<hbm>> -> memref<128x128xf32, #tpu.memory_space<hbm>>
    tpu.wait_dma2 semaphore(%arg12 : memref<!tpu.dma_semaphore, #tpu.memory_space<semaphore_mem>>) src(%arg8 : memref<128x128xf32, #tpu.memory_space<vmem>>) dst(%dma_wait3A_86 : memref<128x128xf32, #tpu.memory_space<hbm>>)
    %dma_wait3A_87 = arith.constant 0 : i32
    %dma_wait3A_88 = tpu.memref_slice %arg4[%add3A_70, %dma_wait3A_87] : memref<16384x128xf32, #tpu.memory_space<hbm>> -> memref<128x128xf32, #tpu.memory_space<hbm>>
    %dma_wait3A_89 = arith.constant 0 : i32
    %dma_wait3A_90 = tpu.memref_slice %arg4[%add3A_70, %dma_wait3A_89] : memref<16384x128xf32, #tpu.memory_space<hbm>> -> memref<128x128xf32, #tpu.memory_space<hbm>>
    tpu.wait_dma2 semaphore(%arg12 : memref<!tpu.dma_semaphore, #tpu.memory_space<semaphore_mem>>) src(%arg9 : memref<128x128xf32, #tpu.memory_space<vmem>>) dst(%dma_wait3A_90 : memref<128x128xf32, #tpu.memory_space<hbm>>)
    return
  }
}

</mosaic_0001>

<sc_bundles>
// kernel: kernel.3.cloned.1.call-start
scs
__scs_entry_jumppad:
0x0: {  	(pc) =	sbr.rel $0x88, $3  }
0x1: {  	(tag) =	ssettag $0x0;
	lr =	simm.s32 $0x1  }
0x2: {  	[smem:$0x3F9F] =	sst lr;
	_ =	strace $0xD0000000  }
0x3: {  	_ = 	snop  }
0x4: {  	_ = 	snop  }
0x5: {  	_ = 	snop  }
0x6: {  	_ = 	snop  }
0x7: {  	_ = 	snop  }
__scs_overlays_trampoline_lowered:
0x8: {  	[smem:$0x3FAE] =	sst s0  }
0x9: {  	[smem:$0x3FAF] =	sst s1  }
0xa: {  	[smem:$0x3FB0] =	sst s2  }
0xb: {  	[smem:$0x3FB1] =	sst s3  }
0xc: {  	[smem:$0x3FB2] =	sst s4  }
0xd: {  	[smem:$0x3FB3] =	sst s5  }
0xe: {  	[smem:$0x3FB4] =	sst s6  }
0xf: {  	[smem:$0x3FB5] =	sst s7  }
0x10: {  	[smem:$0x3FB6] =	sst s8  }
0x11: {  	[smem:$0x3FB7] =	sst s9;
	s0 =	simm.s32 @!p0 $0x0  }
0x12: {  	s1 =	sld [smem:$0x3F9D];
	s0 =	simm.s32 @p0 $0x1  }
0x13: {  	[smem:$0x3FB8] =	sst s0;
	s0 =	simm.s32 @!p1 $0x0  }
0x14: {  	s2 =	sld [smem:$0x3F9C];
	s0 =	simm.s32 @p1 $0x1  }
0x15: {  	[smem:$0x3FB9] =	sst s0;
	s0 =	simm.s32 @!p2 $0x0  }
0x16: {  	s3 =	sld [smem:$0x3FDB];
	s0 =	simm.s32 @p2 $0x1  }
0x17: {  	s4 =	simm.s32 $0x1BF5;
	[smem:$0x3FBB] =	sst s0  }
0x18: {  	s0 =	sld [smem:$0x3F9E];
	_ =	swait.ge [sflag:s4], $0x0  }
0x19: {  	s7 =	sld [smem:$0x3F9F]  }
0x1a: {  	s8 =	sadd.s32 $0xFFFFE003, lr  }
0x1b: {  	s9 =	sadd.s32 $0xFFFFFEF7, lr;
	s5 =	simm.s32 $0xFFFFFFFF;
	p2 =	slt.u32 s8, $0xFFFFF086  }
0x1c: {  	p1 =	slt.u32 s9, $0xF7A;
	s5 =	simm.s32 @!p2 $0x0  }
0x1d: {  	s5 =	simm.s32 @p1 $0x1;
	p0 =	seq.s32 s7, s2  }
0x1e: {  	s7 =	smul.u32 @!p0 $0xF7A, s2;
	p2 =	seq.s32 @!p0 s5, $0x0  }
0x1f: {  	s9 =	smul.u32 $0xF7A, s1;
	s8 =	simm.s32 @!p0 $0x1BF5;
	p2 =	por !p2, p0  }
0x20: {  	[sflag:s8] =	ssyncset.s32 @!p0 $0xFFFFF086;
	s6 =	sadd.s32 @!p0 s3, s7;
	s7 =	simm.s32 @!p0 $0x108  }
0x21: {  	s3 =	sadd.s32 s3, s9;
	s6 =	sadd.s32 @!p0 $0x88, s6;
	s7 =	simm.s32 @p2 $0x1082  }
0x22: {  	[simem:s7], [sflag:s8] =	dma.local @!p0 [hbm:s6], $0xF7A  }
0x23: {  	s9 =	sor.u32 $0xD0000000, s2;
	s6 =	simm.s32 $0x108;
	_ =	swait.ge @!p0 [sflag:s8], $0x0  }
0x24: {  	s3 =	sadd.s32 $0x88, s3;
	s6 =	simm.s32 @!p1 $0x1082;
	[sflag:s4] =	ssyncset.s32 $0xFFFFF086  }
0x25: {  	[simem:s6], [sflag:s4] =	dma.local [hbm:s3], $0xF7A  }
0x26: {  	[smem:$0x3F9F] =	sst s1;
	(tag) =	ssettag s2;
	_ =	strace s9  }
0x27: {  	s1 =	sld [smem:$0x3FAF]  }
0x28: {  	s2 =	sld [smem:$0x3FB0]  }
0x29: {  	s4 =	sld [smem:$0x3FB2]  }
0x2a: {  	p0 =	seq.s32 s5, $0x0;
	s5 =	sld [smem:$0x3FB3]  }
0x2b: {  	s6 =	sld [smem:$0x3FB4]  }
0x2c: {  	s7 =	sld [smem:$0x3FB5]  }
0x2d: {  	s3 =	simm.s32 $0x108;
	s8 =	sld [smem:$0x3FB6]  }
0x2e: {  	s3 =	simm.s32 @!p0 $0x1082;
	s9 =	sld [smem:$0x3FB7]  }
0x2f: {  	lr =	sadd.s32 s0, s3;
	s0 =	sld [smem:$0x3FAE]  }
0x30: {  	s3 =	sld [smem:$0x3FB1]  }
0x31: {  	[smem:$0x3FBA] =	sst s10  }
0x32: {  	s10 =	sld [smem:$0x3FB8];
	_ =	sdelay $0x3  }
0x33: {  	p0 =	seq.s32 s10, $0x1;
	s10 =	sld [smem:$0x3FBA];
	_ =	sdelay $0x3  }
0x34: {  	[smem:$0x3FBA] =	sst s10  }
0x35: {  	s10 =	sld [smem:$0x3FB9];
	_ =	sdelay $0x3  }
0x36: {  	p1 =	seq.s32 s10, $0x1;
	s10 =	sld [smem:$0x3FBA];
	_ =	sdelay $0x3  }
0x37: {  	[smem:$0x3FBA] =	sst s10  }
0x38: {  	s10 =	sld [smem:$0x3FBB]  }
0x39: {  	_ = 	snop;
	(pc) =	sbr.ind lr, $3  }
0x3a: {  	_ = 	snop  }
0x3b: {  	_ = 	snop  }
0x3c: {  	p2 =	seq.s32 s10, $0x1;
	s10 =	sld [smem:$0x3FBA]  }
0x3d: {  	_ =	shalt  }
0x3e: {  	_ =	shalt  }
0x3f: {  	_ =	shalt  }
0x40: {  	_ =	shalt  }
0x41: {  	_ =	shalt  }
0x42: {  	_ =	shalt  }
0x43: {  	_ =	shalt  }
0x44: {  	_ =	shalt  }
0x45: {  	_ =	shalt  }
0x46: {  	_ =	shalt  }
0x47: {  	_ =	shalt  }
0x48: {  	_ =	shalt  }
0x49: {  	_ =	shalt  }
0x4a: {  	_ =	shalt  }
0x4b: {  	_ =	shalt  }
0x4c: {  	_ =	shalt  }
0x4d: {  	_ =	shalt  }
0x4e: {  	_ =	shalt  }
0x4f: {  	_ =	shalt  }
0x50: {  	_ =	shalt  }
0x51: {  	_ =	shalt  }
0x52: {  	_ =	shalt  }
0x53: {  	_ =	shalt  }
0x54: {  	_ =	shalt  }
0x55: {  	_ =	shalt  }
0x56: {  	_ =	shalt  }
0x57: {  	_ =	shalt  }
0x58: {  	_ =	shalt  }
0x59: {  	_ =	shalt  }
0x5a: {  	_ =	shalt  }
0x5b: {  	_ =	shalt  }
0x5c: {  	_ =	shalt  }
0x5d: {  	_ =	shalt  }
0x5e: {  	_ =	shalt  }
0x5f: {  	_ =	shalt  }
0x60: {  	_ =	shalt  }
0x61: {  	_ =	shalt  }
0x62: {  	_ =	shalt  }
0x63: {  	_ =	shalt  }
0x64: {  	_ =	shalt  }
0x65: {  	_ =	shalt  }
0x66: {  	_ =	shalt  }
0x67: {  	_ =	shalt  }
0x68: {  	_ =	shalt  }
0x69: {  	_ =	shalt  }
0x6a: {  	_ =	shalt  }
0x6b: {  	_ =	shalt  }
0x6c: {  	_ =	shalt  }
0x6d: {  	_ =	shalt  }
0x6e: {  	_ =	shalt  }
0x6f: {  	_ =	shalt  }
0x70: {  	_ =	shalt  }
0x71: {  	_ =	shalt  }
0x72: {  	_ =	shalt  }
0x73: {  	_ =	shalt  }
0x74: {  	_ =	shalt  }
0x75: {  	_ =	shalt  }
0x76: {  	_ =	shalt  }
0x77: {  	_ =	shalt  }
0x78: {  	_ =	shalt  }
0x79: {  	_ =	shalt  }
0x7a: {  	_ =	shalt  }
0x7b: {  	_ =	shalt  }
0x7c: {  	_ =	shalt  }
0x7d: {  	_ =	shalt  }
0x7e: {  	_ =	shalt  }
0x7f: {  	_ =	shalt  }
0x80: {  	_ =	shalt  }
0x81: {  	_ =	shalt  }
0x82: {  	_ =	shalt  }
0x83: {  	_ =	shalt  }
0x84: {  	_ =	shalt  }
0x85: {  	_ =	shalt  }
0x86: {  	_ =	shalt  }
0x87: {  	_ =	shalt  }
.Lfunc_end0:
.L_simem_size_0:
called_computation_lowered:
.L_overlay_start_0:
0x88: {  	s2 =	sld [smem:$0x3FD9]  }
0x89: {  	s3 =	sld [smem:$0x3FFE];
	_ =	sdelay $0x1  }
0x8a: {  	s1 =	srdreg.scid  }
0x8b: {  	s0 =	sand.u32 $0x1, s1  }
0x8c: {  	s18 =	sshll.u32 s0, $0xA;
	s2 =	sadd.s32 s3, s2  }
0x8d: {  	s2 =	sadd.s32 s2, s18  }
0x8e: {  	[smem:$0x3FC6] =	sst s2  }
0x8f: {  	_ = 	snop  }
0x90: {  	s2 =	sld [smem:$0x3FC9]  }
0x91: {  	s19 =	sld [smem:$0x3FC8]  }
0x92: {  	s4 =	sld [smem:$0x3FD0];
	(tm) =	ssettm $0x1  }
0x93: {  	s5 =	sld [smem:$0x3FFB];
	_ =	sdelay $0x3  }
0x94: {  	_ =	strace s5  }
0x95: {  	s5 =	sld [smem:$0x3FFC];
	_ =	sdelay $0x3  }
0x96: {  	_ =	strace s5  }
0x97: {  	s5 =	sld [smem:$0x3FFD];
	_ =	sdelay $0x3  }
0x98: {  	_ =	strace s5  }
0x99: {  	_ =	strace $0x8FFFFFFF  }
0x9a: {  	s20 =	sld [smem:$0x3FDB];
	_ =	sdelay $0x1  }
0x9b: {  	s6 =	simm.s32 $_scs_section_size  }
0x9c: {  	s7 =	simm.s32 $_size__tile_overlayer_lowered;
	s8 =	simm.s32 $_tile_overlayer_lowered  }
0x9d: {  	s23 =	simm.s32 $0x1BFF;
	s22 =	sshll.u32 s8, $0x1;
	s5 =	sadd.s32 s6, s20  }
0x9e: {  	s9 =	simm.s32 $0x0;
	s21 =	sshll.u32 s7, $0x1;
	s7 =	sadd.s32 s22, s5  }
0x9f: {  	[timem:s9], [sflag:s23] =	dma.local [hbm:s7], s21  }
0xa0: {  	_ =	swait.ge [sflag:s23], s21  }
0xa1: {  	s6 =	ssub.s32 $0x0, s21;
	[sflag:s23] =	ssyncset.done $0x0  }
0xa2: {  	[sflag:s23] =	ssyncadd.s32 s6;
	_ =	sdelay $0x1  }
0xa3: {  	s24 =	simm.s32 $0x1B8B  }
0xa4: {  	_ =	swait.ge [sflag:s24], $0x1  }
0xa5: {  	[sflag:s24] =	ssyncset.done $0x0  }
0xa6: {  	s25 =	simm.s32 $0x1B8E;
	[sflag:s24] =	ssyncadd.s32 $0xFFFFFFFF  }
0xa7: {  	s26 =	simm.s32 $execute0_lowered;
	[smem:$0x3FD2] =	sst s25  }
0xa8: {  	s6 =	sshll.u32 s26, $0x1;
	_ =	strace $0x80000046;
	[dreg:$0x1] =	wrdreg $0xFFFFFFFF  }
0xa9: {  	s28 =	simm.s32 $_size_execute0_lowered;
	s5 =	sadd.s32 s5, s6;
	[dreg:$0x0] =	wrdreg $0x0  }
0xaa: {  	s6 =	sshll.u32 s28, $0x1;
	[dreg:$0x2] =	wrdreg s5  }
0xab: {  	[dreg:$0x3] =	wrdreg s6  }
0xac: {  	[dreg:$0x4] =	wrdreg $0xC0  }
0xad: {  	_ =	task [dreg:s9], $0x5FFFF  }
0xae: {  	[dreg:$0x1] =	wrdreg $0xFFFFFFFF  }
0xaf: {  	[dreg:$0x0] =	wrdreg $0x60  }
0xb0: {  	[dreg:$0x2] =	wrdreg s2  }
0xb1: {  	[dreg:$0x3] =	wrdreg s19  }
0xb2: {  	[dreg:$0x4] =	wrdreg s4  }
0xb3: {  	[dreg:$0x5] =	wrdreg $0x102000  }
0xb4: {  	[dreg:$0x6] =	wrdreg $0x9  }
0xb5: {  	_ =	task.clear_ibuf [dreg:s9], $0x7FFFF;
	_ =	strace $0x90000046  }
0xb6: {  	s29 =	simm.s32 $0x9;
	_ =	strace $0x80000048  }
0xb7: {  	_ =	swait.ge [sflag:s29], $0x1  }
0xb8: {  	[sflag:s29] =	ssyncadd.s32 $0xFFFFFFFF  }
0xb9: {  	_ =	strace $0x90000048  }
0xba: {  	_ =	sfence  }
0xbb: {  	s30 =	sld [smem:$0x0];
	_ =	sdelay $0x2  }
0xbc: {  	s31 =	sshll.u32 s1, $0xD;
	s1 =	sshrl.u32 s1, $0x2  }
0xbd: {  	s3 =	sand.u32 $0x4000, s31;
	s1 =	sadd.s32 s1, s30  }
0xbe: {  	s0 =	sor.u32 s3, s0;
	s1 =	sshll.u32 s1, $0x11  }
0xbf: {  	s0 =	sor.u32 s1, s0  }
0xc0: {  	s0 =	sadd.s32 $0x8F2B, s0  }
0xc1: {  	[sflag:s0] =	ssyncadd.remote.s32 $0x1  }
0xc2: {  	_ =	sfence.sel $0xFFFF  }
0xc3: {  	[dreg:$0x0] =	wrdreg $0xFFFFFFFF;
	(pc) =	sbr.abs _section_cstart, $3  }
0xc4: {  	[dreg:$0x1] =	wrdreg $0xFFFFFFFF  }
0xc5: {  	_ =	task.clear_ibuf [dreg:s9], $0x2FFFF;
	_ =	strace $0x9FFFFFFF  }
0xc6: {  	(tm) =	ssettm $0x7FFFFFFF  }
0xc7: {  	_ =	shalt  }
tec
execute0_lowered:
.L_overlay_start_1:
0x0: {  	(tag) =	ssettag $0x1  }
0x1: {  	s4 =	rddreg [dreg:$0x0]  }
0x2: {  	s9 =	rddreg [dreg:$0x1]  }
0x3: {  	s1 =	srdreg.scid;
	s22 =	rddreg [dreg:$0x2]  }
0x4: {  	s0 =	stileid.u32;
	s2 =	rddreg [dreg:$0x3]  }
0x5: {  	s3 =	simm.s32 $0x0;
	s26 =	sand.u32 $0x1, s1;
	s1 =	rddreg [dreg:$0x4]  }
0x6: {  	s10 =	sshll.u32 s0, $0xA;
	[smem:$0x7FF] =	sst s3  }
0x7: {  	s11 =	sshll.u32 s0, $0xD;
	s6 =	sadd.s32 $0x1E000, s2;
	s5 =	sshll.u32 s26, $0x9  }
0x8: {  	p0 =	seq.s32 s0, $0xF;
	_ =	strace $0x80000047;
	s23 =	sor.u32 s5, s10  }
0x9: {  	s6 =	sshrl.u32 @p0 s6, $0x3;
	s7 =	simm.s32 @p0 $0x1FC3;
	s5 =	sshrl.u32 s23, $0x3  }
0xa: {  	s8 =	simm.s32 @p0 $0x3;
	s4 =	sadd.s32 s4, s5;
	s5 =	sadd.s32 $0x3C00, s9  }
0xb: {  	[tilespmem:s3], [sflag:$0x2] =	stream.linear.gather [hbm4b:s4+s3], $0x200, $0x38;
	[tilespmem:$0x12140] =	vst v63  }
0xc: {  	[spmem:s6], [sflag:s7] =	dma.local @p0 [hbm:s5], $0x280  }
0xd: {  	s11 =	sadd.s32 s11, s2;
	s12 =	sshll.u32 @!p0 s0, $0x6;
	_ =	swait.ge @p0 [sflag:s8], $0x280  }
0xe: {  	s11 =	sshrl.u32 @!p0 s11, $0x3;
	s9 =	sadd.s32 s9, s10;
	[sflag:s8] =	ssyncset.done @p0 $0x0  }
0xf: {  	s10 =	sor.u32 @!p0 $0x1C03, s12;
	s12 =	simm.s32 @!p0 $0x3;
	[sflag:s8] =	ssyncadd.s32 @p0 $0xFFFFFD80  }
0x10: {  	[spmem:s11], [sflag:s10] =	dma.local @!p0 [hbm:s9], $0x400  }
0x11: {  	_ =	swait.ge @!p0 [sflag:s12], $0x400  }
0x12: {  	[sflag:s12] =	ssyncset.done @!p0 $0x0  }
0x13: {  	s13 =	simm.s32 $0x2;
	[sflag:s12] =	ssyncadd.s32 @!p0 $0xFFFFFC00  }
0x14: {  	_ =	swait.ge [sflag:s13], $0x200  }
0x15: {  	[sflag:s13] =	ssyncset.done $0x0  }
0x16: {  	[sflag:s13] =	ssyncadd.s32 $0xFFFFFE00  }
0x17: {  	s14 =	simm.s32 $0x80;
	s15 =	simm.s32 $0x200;
	[bflag:$0x0] =	sbarrier.arrive $0xFFFF  }
0x18: {  	[tilespmem:s15], [sflag:$0x1] =	stream.indirect.gather [spmem:s2], $0x80, s3, s14, $0xb8;
	[tilespmem:$0x12140] =	vst v63  }
0x19: {  	s16 =	simm.s32 $0x4200  }
0x1a: {  	[tilespmem:s16], [sflag:$0x1] =	stream.indirect.gather [spmem:s2], $0x80, s14, s14, $0xb8;
	[tilespmem:$0x12140] =	vst v63  }
0x1b: {  	s17 =	simm.s32 $0x100;
	s18 =	simm.s32 $0x8200  }
0x1c: {  	[tilespmem:s18], [sflag:$0x1] =	stream.indirect.gather [spmem:s2], $0x80, s17, s14, $0xb8;
	[tilespmem:$0x12140] =	vst v63  }
0x1d: {  	s19 =	simm.s32 $0x180;
	s20 =	simm.s32 $0xC200;
	s21 =	simm.s32 $0x1  }
0x1e: {  	[tilespmem:s20], [sflag:$0x1] =	stream.indirect.gather [spmem:s2], $0x80, s19, s14, $0xb8;
	[tilespmem:$0x12140] =	vst v63  }
0x1f: {  	_ =	swait.ge [sflag:s21], $0x4000  }
0x20: {  	s23 =	sshll.u32 s23, $0x4;
	[sflag:s21] =	ssyncset.done $0x0  }
0x21: {  	s22 =	sadd.s32 s22, s23;
	[sflag:s21] =	ssyncadd.s32 $0xFFFFC000  }
0x22: {  	[hbm4b:s22+s3] =	stream.linear.scatter [tilespmem:s15], [sflag:$0x2], $0x4000, $0x38;
	[tilespmem:$0x12140] =	vst v63  }
0x23: {  	_ =	swait.ge [sflag:s21], $0x4000  }
0x24: {  	[sflag:s21] =	ssyncset.done $0x0  }
0x25: {  	s23 =	sadd.s32 $0x800, s22;
	[sflag:s21] =	ssyncadd.s32 $0xFFFFC000  }
0x26: {  	[hbm4b:s23+s3] =	stream.linear.scatter [tilespmem:s16], [sflag:$0x2], $0x4000, $0x38;
	[tilespmem:$0x12140] =	vst v63  }
0x27: {  	_ =	swait.ge [sflag:s21], $0x4000  }
0x28: {  	[sflag:s21] =	ssyncset.done $0x0  }
0x29: {  	s24 =	sadd.s32 $0x1000, s22;
	[sflag:s21] =	ssyncadd.s32 $0xFFFFC000  }
0x2a: {  	[hbm4b:s24+s3] =	stream.linear.scatter [tilespmem:s18], [sflag:$0x2], $0x4000, $0x38;
	[tilespmem:$0x12140] =	vst v63  }
0x2b: {  	_ =	swait.ge [sflag:s21], $0x4000  }
0x2c: {  	[sflag:s21] =	ssyncset.done $0x0  }
0x2d: {  	s25 =	sadd.s32 $0x1800, s22;
	[sflag:s21] =	ssyncadd.s32 $0xFFFFC000  }
0x2e: {  	[hbm4b:s25+s3] =	stream.linear.scatter [tilespmem:s20], [sflag:$0x2], $0x4000, $0x38;
	[tilespmem:$0x12140] =	vst v63  }
0x2f: {  	s26 =	ssub.s32 $0x2, s26;
	_ =	swait.ge [sflag:s13], $0x4000  }
0x30: {  	s28 =	sshrl.u32 s26, $0x1;
	[sflag:s13] =	ssyncset.done $0x0  }
0x31: {  	s26 =	ssub.s32 s26, s28;
	[sflag:s13] =	ssyncadd.s32 $0xFFFFC000  }
0x32: {  	s26 =	smax.u32 s26, $0x1;
	_ =	swait.ge [sflag:s13], $0x4000  }
0x33: {  	s26 =	sadd.s32 $0xFFFFFFFF, s26;
	[sflag:s13] =	ssyncset.done $0x0  }
0x34: {  	p1 =	sne.s32 s26, $0x0;
	[sflag:s13] =	ssyncadd.s32 $0xFFFFC000  }
.Ltmp0:
0x35: {  	_ =	swait.ge [sflag:s13], $0x4000;
	(pc) =	sbr.rel @!p1 .LBB2_2-.Ltmp0, $4  }
0x36: {  	[sflag:s13] =	ssyncset.done $0x0  }
0x37: {  	[sflag:s13] =	ssyncadd.s32 $0xFFFFC000  }
0x38: {  	_ =	swait.ge [sflag:s13], $0x4000  }
0x39: {  	[sflag:s13] =	ssyncset.done $0x0  }
.LBB2_1:
0x3a: {  	[sflag:s13] =	ssyncadd.s32 $0xFFFFC000  }
0x3b: {  	[tilespmem:s3], [sflag:$0x2] =	stream.linear.gather [hbm4b:s4+s3], $0x200, $0x38;
	[tilespmem:$0x12140] =	vst v63  }
0x3c: {  	[spmem:s6], [sflag:s7] =	dma.local @p0 [hbm:s5], $0x280  }
0x3d: {  	s26 =	sadd.s32 $0xFFFFFFFF, s26;
	_ =	swait.ge @p0 [sflag:s8], $0x280  }
0x3e: {  	p1 =	sne.s32 s26, $0x0;
	[sflag:s8] =	ssyncset.done @p0 $0x0  }
0x3f: {  	[sflag:s8] =	ssyncadd.s32 @p0 $0xFFFFFD80  }
0x40: {  	[spmem:s11], [sflag:s10] =	dma.local @!p0 [hbm:s9], $0x400  }
0x41: {  	_ =	swait.ge @!p0 [sflag:s12], $0x400  }
0x42: {  	[sflag:s12] =	ssyncset.done @!p0 $0x0  }
0x43: {  	[sflag:s12] =	ssyncadd.s32 @!p0 $0xFFFFFC00  }
0x44: {  	_ =	swait.ge [sflag:s13], $0x200  }
0x45: {  	[sflag:s13] =	ssyncset.done $0x0  }
0x46: {  	[sflag:s13] =	ssyncadd.s32 $0xFFFFFE00  }
0x47: {  	[bflag:$0x0] =	sbarrier.arrive $0xFFFF  }
0x48: {  	[tilespmem:s15], [sflag:$0x1] =	stream.indirect.gather [spmem:s2], $0x80, s3, s14, $0xb8;
	[tilespmem:$0x12140] =	vst v63  }
0x49: {  	_ = 	snop  }
0x4a: {  	[tilespmem:s16], [sflag:$0x1] =	stream.indirect.gather [spmem:s2], $0x80, s14, s14, $0xb8;
	[tilespmem:$0x12140] =	vst v63  }
0x4b: {  	_ = 	snop  }
0x4c: {  	[tilespmem:s18], [sflag:$0x1] =	stream.indirect.gather [spmem:s2], $0x80, s17, s14, $0xb8;
	[tilespmem:$0x12140] =	vst v63  }
0x4d: {  	_ = 	snop  }
0x4e: {  	[tilespmem:s20], [sflag:$0x1] =	stream.indirect.gather [spmem:s2], $0x80, s19, s14, $0xb8;
	[tilespmem:$0x12140] =	vst v63  }
0x4f: {  	_ =	swait.ge [sflag:s21], $0x4000  }
0x50: {  	[sflag:s21] =	ssyncset.done $0x0  }
0x51: {  	[sflag:s21] =	ssyncadd.s32 $0xFFFFC000  }
0x52: {  	[hbm4b:s22+s3] =	stream.linear.scatter [tilespmem:s15], [sflag:$0x2], $0x4000, $0x38;
	[tilespmem:$0x12140] =	vst v63  }
0x53: {  	_ =	swait.ge [sflag:s21], $0x4000  }
0x54: {  	[sflag:s21] =	ssyncset.done $0x0  }
0x55: {  	[sflag:s21] =	ssyncadd.s32 $0xFFFFC000  }
0x56: {  	[hbm4b:s23+s3] =	stream.linear.scatter [tilespmem:s16], [sflag:$0x2], $0x4000, $0x38;
	[tilespmem:$0x12140] =	vst v63  }
0x57: {  	_ =	swait.ge [sflag:s21], $0x4000  }
0x58: {  	[sflag:s21] =	ssyncset.done $0x0  }
0x59: {  	[sflag:s21] =	ssyncadd.s32 $0xFFFFC000  }
0x5a: {  	[hbm4b:s24+s3] =	stream.linear.scatter [tilespmem:s18], [sflag:$0x2], $0x4000, $0x38;
	[tilespmem:$0x12140] =	vst v63  }
0x5b: {  	_ =	swait.ge [sflag:s21], $0x4000  }
0x5c: {  	[sflag:s21] =	ssyncset.done $0x0  }
0x5d: {  	[sflag:s21] =	ssyncadd.s32 $0xFFFFC000  }
0x5e: {  	[hbm4b:s25+s3] =	stream.linear.scatter [tilespmem:s20], [sflag:$0x2], $0x4000, $0x38;
	[tilespmem:$0x12140] =	vst v63  }
0x5f: {  	_ =	swait.ge [sflag:s13], $0x4000  }
0x60: {  	[sflag:s13] =	ssyncset.done $0x0  }
0x61: {  	[sflag:s13] =	ssyncadd.s32 $0xFFFFC000  }
0x62: {  	_ =	swait.ge [sflag:s13], $0x4000  }
0x63: {  	[sflag:s13] =	ssyncset.done $0x0  }
0x64: {  	[sflag:s13] =	ssyncadd.s32 $0xFFFFC000  }
.Ltmp1:
0x65: {  	_ =	swait.ge [sflag:s13], $0x4000;
	(pc) =	sbr.rel @p1 .LBB2_1-.Ltmp1, $4  }
0x66: {  	[sflag:s13] =	ssyncset.done $0x0  }
0x67: {  	[sflag:s13] =	ssyncadd.s32 $0xFFFFC000  }
0x68: {  	_ =	swait.ge [sflag:s13], $0x4000  }
0x69: {  	[sflag:s13] =	ssyncset.done $0x0  }
.LBB2_2:
0x6a: {  	[sflag:s13] =	ssyncadd.s32 $0xFFFFC000  }
0x6b: {  	_ =	sfence.sel $0x180000  }
0x6c: {  	[bflag:$0x0] =	sbarrier.arrive $0xFFFF  }
0x6d: {  	p0 =	sne.s32 s0, $0x0;
	_ =	strace $0x90000047  }
0x6e: {  	s0 =	sadd.s32 @!p0 $0x100000, s1;
	[bflag:$0x2] =	sbarrier.arrive $0xFFFF  }
0x6f: {  	[sflag:s0] =	ssyncadd.tile.s32 @!p0 $0x1;
	_ =	shalt  }
.Lfunc_end2:
_tile_overlayer_lowered:
.L_overlay_start_2:
0x70: {  	(tag) =	ssettag $0x2  }
0x71: {  	s0 =	rddreg [dreg:$0x0];
	s2 =	stileid.u32  }
0x72: {  	s1 =	rddreg [dreg:$0x1];
	p0 =	sne.s32 s2, $0x0  }
0x73: {  	s3 =	rddreg [dreg:$0x2];
	[bflag:$0x3] =	sbarrier.arrive $0xFFFF;
	s2 =	simm.s32 @!p0 $0x1C03  }
0x74: {  	[timem:s3], [sflag:s2] =	dma.local @!p0 [hbm:s0], s1  }
0x75: {  	s0 =	simm.s32 @!p0 $0x3  }
0x76: {  	_ =	swait.ge @!p0 [sflag:s0], s1  }
0x77: {  	s1 =	ssub.s32 @!p0 $0x0, s1;
	[sflag:s0] =	ssyncset.done @!p0 $0x0  }
0x78: {  	[sflag:s0] =	ssyncadd.s32 @!p0 s1  }
0x79: {  	[bflag:$0x3] =	sbarrier.arrive $0xFFFF  }
0x7a: {  	_ =	shalt  }

</sc_bundles>
